<compile_context>
chip_gen: v7x
topology: tpu7x:2x2x1
jax: 0.10.2.dev20260603
libtpu: 0.0.44.dev20260713+nightly
codegen_flags: <defaults>
</compile_context>

<pallas_src>
import functools

import jax
import jax.numpy as jnp
from jax.experimental import pallas as pl
from jax.experimental.pallas import tpu as pltpu

NEG_INF = float("-inf")


def _gelu(z):
    return z * 0.5 * (1.0 + jax.lax.erf(z * 0.7071067811865476))


def _main_body(eid_ref, pperm_ref, h_ref,
               wc1_ref, bc1_ref, wc2_ref, bc2_ref,
               wf1_ref, bf1_ref, wf2_ref, bf2_ref,
               sc_out, sf_out,
               acc_c, acc_f,
               *, bt, n_g, n_h, chunk):
    g = pl.program_id(0)
    hs = pl.program_id(1)
    hh = h_ref[...].astype(jnp.bfloat16)

    zc = jax.lax.dot_general(
        hh, wc1_ref[...], (((1,), (1,)), ((), ())),
        preferred_element_type=jnp.float32)
    zc = _gelu(zc + bc1_ref[...]).astype(jnp.bfloat16)
    pc = jax.lax.dot_general(
        zc, wc2_ref[...], (((1,), (1,)), ((), ())),
        preferred_element_type=jnp.float32)

    zf = jax.lax.dot_general(
        hh, wf1_ref[0], (((1,), (1,)), ((), ())),
        preferred_element_type=jnp.float32)
    zf = _gelu(zf + bf1_ref[0]).astype(jnp.bfloat16)
    pf = jax.lax.dot_general(
        zf, wf2_ref[0], (((1,), (1,)), ((), ())),
        preferred_element_type=jnp.float32)

    @pl.when(hs == 0)
    def _():
        acc_c[...] = pc
        acc_f[...] = pf

    @pl.when(hs != 0)
    def _():
        acc_c[...] += pc
        acc_f[...] += pf

    @pl.when(hs == n_h - 1)
    def _():
        sc_out[...] = (acc_c[...] + bc2_ref[...]).astype(jnp.bfloat16)
        sf_out[...] = (acc_f[...] + bf2_ref[0]).astype(jnp.bfloat16)


def _epi_body(invpos_ref, labels_ref, sc_ref, sf_ref,
              coarse_out, fine_out, flat_out, *, gbt, nf0, nf1):
    ip = invpos_ref[...]
    iota = jax.lax.broadcasted_iota(jnp.int32, (ip.shape[0], gbt), 1)
    pmat = (ip == iota).astype(jnp.bfloat16)
    coarse_out[...] = jax.lax.dot_general(
        pmat, sc_ref[...], (((1,), (0,)), ((), ())),
        preferred_element_type=jnp.float32)
    logits = jax.lax.dot_general(
        pmat, sf_ref[...], (((1,), (0,)), ((), ())),
        preferred_element_type=jnp.float32)
    mask = labels_ref[...] == 0
    neg = jnp.float32(NEG_INF)
    col = jax.lax.broadcasted_iota(jnp.int32, logits.shape, 1)
    fine_out[...] = jnp.where(mask & (col >= nf0), neg, logits)
    flat_out[...] = jnp.concatenate(
        [jnp.where(mask, logits[:, :nf0], neg),
         jnp.where(mask, neg, logits)], axis=1)


def kernel(h, coarse_labels, Wc1, bc1, Wc2, bc2,
           Wf0_1, bf0_1, Wf0_2, bf0_2, Wf1_1, bf1_1, Wf1_2, bf1_2):
    B, IN = h.shape
    H = Wc1.shape[0]
    NC = Wc2.shape[0]
    NF0 = Wf0_2.shape[0]
    NF1 = Wf1_2.shape[0]
    bt = min(512, B)
    hc = min(512, H)
    n_h = H // hc
    n_g = B // bt + 1
    gbt = n_g * bt
    chunk = bt // n_h

    labels = coarse_labels.astype(jnp.int32)
    m0 = labels == 0
    c0 = jnp.cumsum(m0.astype(jnp.int32))
    count0 = c0[-1]
    c0ex = c0 - m0.astype(jnp.int32)
    idx = jnp.arange(B, dtype=jnp.int32)
    t1 = (count0 + bt - 1) // bt
    pos = jnp.where(m0, c0ex, t1 * bt + idx - c0ex)
    pperm = jnp.zeros((gbt,), jnp.int32).at[pos].set(idx)
    eid = (jnp.arange(n_g, dtype=jnp.int32) >= t1).astype(jnp.int32)
    invpos = pos.reshape(B, 1)
    labels2 = labels.reshape(B, 1)

    bf = jnp.bfloat16
    wc1b = Wc1.astype(bf)
    bc1r = bc1.reshape(1, H)
    wc2b = Wc2.astype(bf)
    bc2r = bc2.reshape(1, NC)
    wf1_st = jnp.stack([Wf0_1, Wf1_1]).astype(bf)
    bf1_st = jnp.stack([bf0_1, bf1_1]).reshape(2, 1, H)
    wf2_st = jnp.stack([
        jnp.concatenate([Wf0_2, jnp.zeros((NF1 - NF0, H), Wf0_2.dtype)], 0),
        Wf1_2]).astype(bf)
    bf2_st = jnp.stack([
        jnp.concatenate([bf0_2, jnp.zeros((NF1 - NF0,), bf0_2.dtype)]),
        bf1_2]).reshape(2, 1, NF1)

    grid_spec = pltpu.PrefetchScalarGridSpec(
        num_scalar_prefetch=2,
        grid=(n_g, n_h),
        in_specs=[
            pl.BlockSpec((bt, IN), lambda g, hs, e, p: (g, 0)),
            pl.BlockSpec((hc, IN), lambda g, hs, e, p: (hs, 0)),
            pl.BlockSpec((1, hc), lambda g, hs, e, p: (0, hs)),
            pl.BlockSpec((NC, hc), lambda g, hs, e, p: (0, hs)),
            pl.BlockSpec((1, NC), lambda g, hs, e, p: (0, 0)),
            pl.BlockSpec((1, hc, IN), lambda g, hs, e, p: (e[g], hs, 0)),
            pl.BlockSpec((1, 1, hc), lambda g, hs, e, p: (e[g], 0, hs)),
            pl.BlockSpec((1, NF1, hc), lambda g, hs, e, p: (e[g], 0, hs)),
            pl.BlockSpec((1, 1, NF1), lambda g, hs, e, p: (e[g], 0, 0)),
        ],
        out_specs=[
            pl.BlockSpec((bt, NC), lambda g, hs, e, p: (g, 0)),
            pl.BlockSpec((bt, NF1), lambda g, hs, e, p: (g, 0)),
        ],
        scratch_shapes=[
            pltpu.VMEM((bt, NC), jnp.float32),
            pltpu.VMEM((bt, NF1), jnp.float32),
        ],
    )
    sc, sf = pl.pallas_call(
        functools.partial(_main_body, bt=bt, n_g=n_g, n_h=n_h, chunk=chunk),
        grid_spec=grid_spec,
        out_shape=[
            jax.ShapeDtypeStruct((gbt, NC), bf),
            jax.ShapeDtypeStruct((gbt, NF1), bf),
        ],
    )(eid, pperm, jnp.take(h, pperm, axis=0),
      wc1b, bc1r, wc2b, bc2r, wf1_st, bf1_st, wf2_st, bf2_st)

    bt2 = min(512, B)
    coarse, fine, flat = pl.pallas_call(
        functools.partial(_epi_body, gbt=gbt, nf0=NF0, nf1=NF1),
        grid=(B // bt2,),
        in_specs=[
            pl.BlockSpec((bt2, 1), lambda b: (b, 0)),
            pl.BlockSpec((bt2, 1), lambda b: (b, 0)),
            pl.BlockSpec((gbt, NC), lambda b: (0, 0)),
            pl.BlockSpec((gbt, NF1), lambda b: (0, 0)),
        ],
        out_specs=[
            pl.BlockSpec((bt2, NC), lambda b: (b, 0)),
            pl.BlockSpec((bt2, NF1), lambda b: (b, 0)),
            pl.BlockSpec((bt2, NF0 + NF1), lambda b: (b, 0)),
        ],
        out_shape=[
            jax.ShapeDtypeStruct((B, NC), jnp.float32),
            jax.ShapeDtypeStruct((B, NF1), jnp.float32),
            jax.ShapeDtypeStruct((B, NF0 + NF1), jnp.float32),
        ],
    )(invpos, labels2, sc, sf)
    return (coarse, fine, flat)

# --- scband reference (transcript-rebuilt; emitter-appended) ---
"""Pipeline reference for scband-hierarchical-classifier-6511170421498 (READ-ONLY COPY).

The authoritative reference and input builder live on the scoring server;
editing this copy changes nothing except your own understanding.
"""

import jax, jax.numpy as jnp
import numpy as np

IN_DIM = 4096
HID = IN_DIM // 2
NUM_COARSE = 2
NUM_FINE = (128, 256)
B = 4096


def setup_inputs(seed: int = 0) -> dict:
    key = jax.random.key(seed)
    ks = jax.random.split(key, 8)
    s = 0.02
    return {
        "h": jax.random.normal(ks[0], (B, IN_DIM), dtype=jnp.float32),
        "coarse_labels": jax.random.randint(ks[1], (B,), 0, NUM_COARSE, dtype=jnp.int32),
        "Wc1": jax.random.normal(ks[2], (HID, IN_DIM), dtype=jnp.float32) * s,
        "bc1": jnp.zeros((HID,), dtype=jnp.float32),
        "Wc2": jax.random.normal(ks[3], (NUM_COARSE, HID), dtype=jnp.float32) * s,
        "bc2": jnp.zeros((NUM_COARSE,), dtype=jnp.float32),
        "Wf0_1": jax.random.normal(ks[4], (HID, IN_DIM), dtype=jnp.float32) * s,
        "bf0_1": jnp.zeros((HID,), dtype=jnp.float32),
        "Wf0_2": jax.random.normal(ks[5], (NUM_FINE[0], HID), dtype=jnp.float32) * s,
        "bf0_2": jnp.zeros((NUM_FINE[0],), dtype=jnp.float32),
        "Wf1_1": jax.random.normal(ks[6], (HID, IN_DIM), dtype=jnp.float32) * s,
        "bf1_1": jnp.zeros((HID,), dtype=jnp.float32),
        "Wf1_2": jax.random.normal(ks[7], (NUM_FINE[1], HID), dtype=jnp.float32) * s,
        "bf1_2": jnp.zeros((NUM_FINE[1],), dtype=jnp.float32),
    }


def _head(x, W1, b1, W2, b2):
    z = jax.nn.gelu(x @ W1.T + b1, approximate=False)
    return z @ W2.T + b2


def reference(h, coarse_labels, Wc1, bc1, Wc2, bc2, Wf0_1, bf0_1, Wf0_2, bf0_2, Wf1_1, bf1_1, Wf1_2, bf1_2):
    # dropout is identity in eval mode
    coarse_logits = _head(h, Wc1, bc1, Wc2, bc2)
    route = coarse_labels  # ground-truth routing (training path)
    max_fine = max(NUM_FINE)
    total_fine = sum(NUM_FINE)
    B_ = h.shape[0]
    fine_logits = jnp.full((B_, max_fine), -jnp.inf, dtype=jnp.float32)
    flat_fine_logits = jnp.full((B_, total_fine), -jnp.inf, dtype=jnp.float32)
    fine_params = [(Wf0_1, bf0_1, Wf0_2, bf0_2), (Wf1_1, bf1_1, Wf1_2, bf1_2)]
    offset = 0
    for c in range(NUM_COARSE):
        W1, b1, W2, b2 = fine_params[c]
        logits_c = _head(h, W1, b1, W2, b2).astype(jnp.float32)
        n = NUM_FINE[c]
        mask = (route == c)[:, None]
        pad_fine = jnp.concatenate(
            [logits_c, jnp.full((B_, max_fine - n), -jnp.inf, dtype=jnp.float32)], axis=1)
        fine_logits = jnp.where(mask, pad_fine, fine_logits)
        pad_flat = jnp.concatenate(
            [jnp.full((B_, offset), -jnp.inf, dtype=jnp.float32),
             logits_c,
             jnp.full((B_, total_fine - offset - n), -jnp.inf, dtype=jnp.float32)], axis=1)
        flat_fine_logits = jnp.where(mask, pad_flat, flat_fine_logits)
        offset += n
    return (coarse_logits, fine_logits, flat_fine_logits)

if __name__ == "__main__":
    import jax
    _d = setup_inputs()
    print(jax.jit(kernel)(*tuple(_d.values())))

</pallas_src>

<mosaic_0001>
module attributes {stable_mosaic.version = 14 : i64} {
  func.func @_epi_body(%arg0: i32, %arg1: memref<512x1xi32, #tpu.memory_space<vmem>>, %arg2: memref<512x1xi32, #tpu.memory_space<vmem>>, %arg3: memref<4608x2xbf16, #tpu.memory_space<vmem>>, %arg4: memref<4608x256xbf16, #tpu.memory_space<vmem>>, %arg5: memref<512x2xf32, #tpu.memory_space<vmem>>, %arg6: memref<512x256xf32, #tpu.memory_space<vmem>>, %arg7: memref<512x384xf32, #tpu.memory_space<vmem>>) attributes {dimension_semantics = [#tpu.dimension_semantics<arbitrary>], iteration_bounds = array<i64: 8>, scalar_prefetch = 0 : i64, scratch_operands = 0 : i64, tpu.core_type = #tpu.core_type<tc>, window_params = [{transform_indices = @transform_0, window_bounds = array<i64: 512, 1>}, {transform_indices = @transform_1, window_bounds = array<i64: 512, 1>}, {pipeline_mode = #tpu.pipeline_mode<synchronous>, transform_indices = @transform_2, window_bounds = array<i64: 4608, 2>}, {pipeline_mode = #tpu.pipeline_mode<synchronous>, transform_indices = @transform_3, window_bounds = array<i64: 4608, 256>}, {transform_indices = @transform_4, window_bounds = array<i64: 512, 2>}, {transform_indices = @transform_5, window_bounds = array<i64: 512, 256>}, {transform_indices = @transform_6, window_bounds = array<i64: 512, 384>}]} {
    %get3A = arith.constant 0 : index
    %get3A_0 = arith.constant 0 : index
    %get3A_1 = vector.load %arg1[%get3A, %get3A_0] : memref<512x1xi32, #tpu.memory_space<vmem>>, vector<512x1xi32>
    %iota3A = tpu.iota {dimensions = array<i32: 1>} : vector<512x4608xi32>
    %eq3A = vector.broadcast %get3A_1 : vector<512x1xi32> to vector<512x4608xi32>
    %eq3A_2 = arith.cmpi eq, %eq3A, %iota3A : vector<512x4608xi32>
    %convert_element_type3A = arith.extui %eq3A_2 : vector<512x4608xi1> to vector<512x4608xi32>
    %convert_element_type3A_3 = arith.sitofp %convert_element_type3A : vector<512x4608xi32> to vector<512x4608xf32>
    %convert_element_type3A_4 = arith.truncf %convert_element_type3A_3 : vector<512x4608xf32> to vector<512x4608xbf16>
    %get3A_5 = arith.constant 0 : index
    %get3A_6 = arith.constant 0 : index
    %get3A_7 = vector.load %arg3[%get3A_5, %get3A_6] : memref<4608x2xbf16, #tpu.memory_space<vmem>>, vector<4608x2xbf16>
    %dot_general3A = arith.constant dense<0.000000e+00> : vector<512x2xf32>
    %dot_general3A_8 = tpu.matmul %convert_element_type3A_4, %get3A_7, %dot_general3A {dimension_numbers = #tpu.dot_dimension_numbers<[1], [0], [0], [1], [0, 0, 1, 1], [], []>, transpose_lhs_hint = false} : vector<512x4608xbf16>, vector<4608x2xbf16>, vector<512x2xf32> -> vector<512x2xf32>
    %swap3A = arith.constant 0 : index
    %swap3A_9 = arith.constant 0 : index
    %swap3A_10 = vector.load %arg5[%swap3A, %swap3A_9] : memref<512x2xf32, #tpu.memory_space<vmem>>, vector<512x2xf32>
    tpu.vector_store %arg5[%swap3A, %swap3A_9], %dot_general3A_8 {strides = array<i32>} : memref<512x2xf32, #tpu.memory_space<vmem>>, vector<512x2xf32>,
    %get3A_11 = arith.constant 0 : index
    %get3A_12 = arith.constant 0 : index
    %get3A_13 = vector.load %arg4[%get3A_11, %get3A_12] : memref<4608x256xbf16, #tpu.memory_space<vmem>>, vector<4608x256xbf16>
    %dot_general3A_14 = arith.constant dense<0.000000e+00> : vector<512x256xf32>
    %dot_general3A_15 = tpu.matmul %convert_element_type3A_4, %get3A_13, %dot_general3A_14 {dimension_numbers = #tpu.dot_dimension_numbers<[1], [0], [0], [1], [0, 0, 1, 1], [], []>, transpose_lhs_hint = false} : vector<512x4608xbf16>, vector<4608x256xbf16>, vector<512x256xf32> -> vector<512x256xf32>
    %get3A_16 = arith.constant 0 : index
    %get3A_17 = arith.constant 0 : index
    %get3A_18 = vector.load %arg2[%get3A_16, %get3A_17] : memref<512x1xi32, #tpu.memory_space<vmem>>, vector<512x1xi32>
    %eq3A_19 = arith.constant 0 : i32
    %eq3A_20 = vector.broadcast %eq3A_19 : i32 to vector<512x1xi32>
    %eq3A_21 = arith.cmpi eq, %get3A_18, %eq3A_20 : vector<512x1xi32>
    %iota3A_22 = tpu.iota {dimensions = array<i32: 1>} : vector<512x256xi32>
    %ge3A = arith.constant 128 : i32
    %ge3A_23 = vector.broadcast %ge3A : i32 to vector<512x256xi32>
    %ge3A_24 = arith.cmpi sge, %iota3A_22, %ge3A_23 : vector<512x256xi32>
    %and3A = vector.broadcast %eq3A_21 : vector<512x1xi1> to vector<512x256xi1>
    %and3A_25 = arith.andi %and3A, %ge3A_24 : vector<512x256xi1>
    %jit3A = arith.constant 0xFF800000 : f32
    %broadcast_in_dim3A = vector.broadcast %jit3A : f32 to vector<512x256xf32>
    %select_n3A = arith.select %and3A_25, %broadcast_in_dim3A, %dot_general3A_15 : vector<512x256xi1>, vector<512x256xf32>
    %swap3A_26 = arith.constant 0 : index
    %swap3A_27 = arith.constant 0 : index
    %swap3A_28 = vector.load %arg6[%swap3A_26, %swap3A_27] : memref<512x256xf32, #tpu.memory_space<vmem>>, vector<512x256xf32>
    tpu.vector_store %arg6[%swap3A_26, %swap3A_27], %select_n3A {strides = array<i32>} : memref<512x256xf32, #tpu.memory_space<vmem>>, vector<512x256xf32>,
    %slice3A = vector.extract_strided_slice %dot_general3A_15 {offsets = [0, 0], sizes = [512, 128], strides = [1, 1]} : vector<512x256xf32> to vector<512x128xf32>
    %jit3A_29 = arith.constant 0xFF800000 : f32
    %broadcast_in_dim3A_30 = vector.shape_cast %eq3A_21 : vector<512x1xi1> to vector<512x1xi1>
    %broadcast_in_dim3A_31 = vector.broadcast %broadcast_in_dim3A_30 : vector<512x1xi1> to vector<512x128xi1>
    %broadcast_in_dim3A_32 = vector.broadcast %jit3A_29 : f32 to vector<512x128xf32>
    %select_n3A_33 = arith.select %broadcast_in_dim3A_31, %slice3A, %broadcast_in_dim3A_32 : vector<512x128xi1>, vector<512x128xf32>
    %jit3A_34 = arith.constant 0xFF800000 : f32
    %broadcast_in_dim3A_35 = vector.shape_cast %eq3A_21 : vector<512x1xi1> to vector<512x1xi1>
    %broadcast_in_dim3A_36 = vector.broadcast %broadcast_in_dim3A_35 : vector<512x1xi1> to vector<512x256xi1>
    %broadcast_in_dim3A_37 = vector.broadcast %jit3A_34 : f32 to vector<512x256xf32>
    %select_n3A_38 = arith.select %broadcast_in_dim3A_36, %broadcast_in_dim3A_37, %dot_general3A_15 : vector<512x256xi1>, vector<512x256xf32>
    %concatenate3A = tpu.concatenate %select_n3A_33, %select_n3A_38 in 1 : vector<512x128xf32>, vector<512x256xf32> -> vector<512x384xf32>
    %swap3A_39 = arith.constant 0 : index
    %swap3A_40 = arith.constant 0 : index
    %swap3A_41 = vector.load %arg7[%swap3A_39, %swap3A_40] : memref<512x384xf32, #tpu.memory_space<vmem>>, vector<512x384xf32>
    tpu.vector_store %arg7[%swap3A_39, %swap3A_40], %concatenate3A {strides = array<i32>} : memref<512x384xf32, #tpu.memory_space<vmem>>, vector<512x384xf32>,
    return
  }
  func.func @transform_0(%arg0: i32) -> (i32, i32) {
    %c0_i32 = arith.constant 0 : i32
    %c0_i32_0 = arith.constant 0 : i32
    return %arg0, %c0_i32 : i32, i32
  }
  func.func @transform_1(%arg0: i32) -> (i32, i32) {
    %c0_i32 = arith.constant 0 : i32
    %c0_i32_0 = arith.constant 0 : i32
    return %arg0, %c0_i32 : i32, i32
  }
  func.func @transform_2(%arg0: i32) -> (i32, i32) {
    %c0_i32 = arith.constant 0 : i32
    %c0_i32_0 = arith.constant 0 : i32
    %c0_i32_1 = arith.constant 0 : i32
    return %c0_i32, %c0_i32_0 : i32, i32
  }
  func.func @transform_3(%arg0: i32) -> (i32, i32) {
    %c0_i32 = arith.constant 0 : i32
    %c0_i32_0 = arith.constant 0 : i32
    %c0_i32_1 = arith.constant 0 : i32
    return %c0_i32, %c0_i32_0 : i32, i32
  }
  func.func @transform_4(%arg0: i32) -> (i32, i32) {
    %c0_i32 = arith.constant 0 : i32
    %c0_i32_0 = arith.constant 0 : i32
    return %arg0, %c0_i32 : i32, i32
  }
  func.func @transform_5(%arg0: i32) -> (i32, i32) {
    %c0_i32 = arith.constant 0 : i32
    %c0_i32_0 = arith.constant 0 : i32
    return %arg0, %c0_i32 : i32, i32
  }
  func.func @transform_6(%arg0: i32) -> (i32, i32) {
    %c0_i32 = arith.constant 0 : i32
    %c0_i32_0 = arith.constant 0 : i32
    return %arg0, %c0_i32 : i32, i32
  }
}

module attributes {stable_mosaic.version = 14 : i64} {
  func.func @_main_body(%arg0: i32, %arg1: i32, %arg2: memref<9xi32, #tpu.memory_space<smem>>, %arg3: memref<4608xi32, #tpu.memory_space<smem>>, %arg4: memref<512x4096xf32, #tpu.memory_space<vmem>>, %arg5: memref<512x4096xbf16, #tpu.memory_space<vmem>>, %arg6: memref<1x512xf32, #tpu.memory_space<vmem>>, %arg7: memref<2x512xbf16, #tpu.memory_space<vmem>>, %arg8: memref<1x2xf32, #tpu.memory_space<vmem>>, %arg9: memref<1x512x4096xbf16, #tpu.memory_space<vmem>>, %arg10: memref<1x1x512xf32, #tpu.memory_space<vmem>>, %arg11: memref<1x256x512xbf16, #tpu.memory_space<vmem>>, %arg12: memref<1x1x256xf32, #tpu.memory_space<vmem>>, %arg13: memref<512x2xbf16, #tpu.memory_space<vmem>>, %arg14: memref<512x256xbf16, #tpu.memory_space<vmem>>, %arg15: memref<512x2xf32, #tpu.memory_space<vmem>>, %arg16: memref<512x256xf32, #tpu.memory_space<vmem>>) attributes {dimension_semantics = [#tpu.dimension_semantics<arbitrary>, #tpu.dimension_semantics<arbitrary>], iteration_bounds = array<i64: 9, 4>, scalar_prefetch = 2 : i64, scratch_operands = 2 : i64, tpu.core_type = #tpu.core_type<tc>, window_params = [{transform_indices = @transform_0, window_bounds = array<i64: 512, 4096>}, {transform_indices = @transform_1, window_bounds = array<i64: 512, 4096>}, {transform_indices = @transform_2, window_bounds = array<i64: 1, 512>}, {transform_indices = @transform_3, window_bounds = array<i64: 2, 512>}, {pipeline_mode = #tpu.pipeline_mode<synchronous>, transform_indices = @transform_4, window_bounds = array<i64: 1, 2>}, {transform_indices = @transform_5, window_bounds = array<i64: 1, 512, 4096>}, {transform_indices = @transform_6, window_bounds = array<i64: 1, 1, 512>}, {transform_indices = @transform_7, window_bounds = array<i64: 1, 256, 512>}, {transform_indices = @transform_8, window_bounds = array<i64: 1, 1, 256>}, {transform_indices = @transform_9, window_bounds = array<i64: 512, 2>}, {transform_indices = @transform_10, window_bounds = array<i64: 512, 256>}]} {
    %get3A = arith.constant 0 : index
    %get3A_0 = arith.constant 0 : index
    %get3A_1 = vector.load %arg4[%get3A, %get3A_0] : memref<512x4096xf32, #tpu.memory_space<vmem>>, vector<512x4096xf32>
    %convert_element_type3A = arith.truncf %get3A_1 : vector<512x4096xf32> to vector<512x4096xbf16>
    %get3A_2 = arith.constant 0 : index
    %get3A_3 = arith.constant 0 : index
    %get3A_4 = vector.load %arg5[%get3A_2, %get3A_3] : memref<512x4096xbf16, #tpu.memory_space<vmem>>, vector<512x4096xbf16>
    %dot_general3A = arith.constant dense<0.000000e+00> : vector<512x512xf32>
    %dot_general3A_5 = tpu.matmul %convert_element_type3A, %get3A_4, %dot_general3A {dimension_numbers = #tpu.dot_dimension_numbers<[1], [1], [0], [0], [0, 0, 1, 0], [], []>, transpose_lhs_hint = false} : vector<512x4096xbf16>, vector<512x4096xbf16>, vector<512x512xf32> -> vector<512x512xf32>
    %get3A_6 = arith.constant 0 : index
    %get3A_7 = arith.constant 0 : index
    %get3A_8 = vector.load %arg6[%get3A_6, %get3A_7] : memref<1x512xf32, #tpu.memory_space<vmem>>, vector<1x512xf32>
    %add3A = vector.broadcast %get3A_8 : vector<1x512xf32> to vector<512x512xf32>
    %add3A_9 = arith.addf %dot_general3A_5, %add3A : vector<512x512xf32>
    %mul3A = arith.constant 5.000000e-01 : f32
    %mul3A_10 = vector.broadcast %mul3A : f32 to vector<512x512xf32>
    %mul3A_11 = arith.mulf %add3A_9, %mul3A_10 : vector<512x512xf32>
    %mul3A_12 = arith.constant 0.707106769 : f32
    %mul3A_13 = vector.broadcast %mul3A_12 : f32 to vector<512x512xf32>
    %mul3A_14 = arith.mulf %add3A_9, %mul3A_13 : vector<512x512xf32>
    %erf3A = math.erf %mul3A_14 : vector<512x512xf32>
    %add3A_15 = arith.constant 1.000000e+00 : f32
    %add3A_16 = vector.broadcast %add3A_15 : f32 to vector<512x512xf32>
    %add3A_17 = arith.addf %add3A_16, %erf3A : vector<512x512xf32>
    %mul3A_18 = arith.mulf %mul3A_11, %add3A_17 : vector<512x512xf32>
    %convert_element_type3A_19 = arith.truncf %mul3A_18 : vector<512x512xf32> to vector<512x512xbf16>
    %get3A_20 = arith.constant 0 : index
    %get3A_21 = arith.constant 0 : index
    %get3A_22 = vector.load %arg7[%get3A_20, %get3A_21] : memref<2x512xbf16, #tpu.memory_space<vmem>>, vector<2x512xbf16>
    %dot_general3A_23 = arith.constant dense<0.000000e+00> : vector<512x2xf32>
    %dot_general3A_24 = tpu.matmul %convert_element_type3A_19, %get3A_22, %dot_general3A_23 {dimension_numbers = #tpu.dot_dimension_numbers<[1], [1], [0], [0], [0, 0, 1, 0], [], []>, transpose_lhs_hint = false} : vector<512x512xbf16>, vector<2x512xbf16>, vector<512x2xf32> -> vector<512x2xf32>
    %get3A_25 = arith.constant 0 : index
    %get3A_26 = arith.constant 0 : index
    %get3A_27 = arith.constant 0 : index
    %get3A_28 = vector.load %arg9[%get3A_25, %get3A_26, %get3A_27] : memref<1x512x4096xbf16, #tpu.memory_space<vmem>>, vector<1x512x4096xbf16>
    %get3A_29 = vector.shape_cast %get3A_28 : vector<1x512x4096xbf16> to vector<512x4096xbf16>
    %dot_general3A_30 = arith.constant dense<0.000000e+00> : vector<512x512xf32>
    %dot_general3A_31 = tpu.matmul %convert_element_type3A, %get3A_29, %dot_general3A_30 {dimension_numbers = #tpu.dot_dimension_numbers<[1], [1], [0], [0], [0, 0, 1, 0], [], []>, transpose_lhs_hint = false} : vector<512x4096xbf16>, vector<512x4096xbf16>, vector<512x512xf32> -> vector<512x512xf32>
    %get3A_32 = arith.constant 0 : index
    %get3A_33 = arith.constant 0 : index
    %get3A_34 = arith.constant 0 : index
    %get3A_35 = vector.load %arg10[%get3A_32, %get3A_33, %get3A_34] : memref<1x1x512xf32, #tpu.memory_space<vmem>>, vector<1x1x512xf32>
    %get3A_36 = vector.shape_cast %get3A_35 : vector<1x1x512xf32> to vector<1x512xf32>
    %add3A_37 = vector.broadcast %get3A_36 : vector<1x512xf32> to vector<512x512xf32>
    %add3A_38 = arith.addf %dot_general3A_31, %add3A_37 : vector<512x512xf32>
    %mul3A_39 = arith.constant 5.000000e-01 : f32
    %mul3A_40 = vector.broadcast %mul3A_39 : f32 to vector<512x512xf32>
    %mul3A_41 = arith.mulf %add3A_38, %mul3A_40 : vector<512x512xf32>
    %mul3A_42 = arith.constant 0.707106769 : f32
    %mul3A_43 = vector.broadcast %mul3A_42 : f32 to vector<512x512xf32>
    %mul3A_44 = arith.mulf %add3A_38, %mul3A_43 : vector<512x512xf32>
    %erf3A_45 = math.erf %mul3A_44 : vector<512x512xf32>
    %add3A_46 = arith.constant 1.000000e+00 : f32
    %add3A_47 = vector.broadcast %add3A_46 : f32 to vector<512x512xf32>
    %add3A_48 = arith.addf %add3A_47, %erf3A_45 : vector<512x512xf32>
    %mul3A_49 = arith.mulf %mul3A_41, %add3A_48 : vector<512x512xf32>
    %convert_element_type3A_50 = arith.truncf %mul3A_49 : vector<512x512xf32> to vector<512x512xbf16>
    %get3A_51 = arith.constant 0 : index
    %get3A_52 = arith.constant 0 : index
    %get3A_53 = arith.constant 0 : index
    %get3A_54 = vector.load %arg11[%get3A_51, %get3A_52, %get3A_53] : memref<1x256x512xbf16, #tpu.memory_space<vmem>>, vector<1x256x512xbf16>
    %get3A_55 = vector.shape_cast %get3A_54 : vector<1x256x512xbf16> to vector<256x512xbf16>
    %dot_general3A_56 = arith.constant dense<0.000000e+00> : vector<512x256xf32>
    %dot_general3A_57 = tpu.matmul %convert_element_type3A_50, %get3A_55, %dot_general3A_56 {dimension_numbers = #tpu.dot_dimension_numbers<[1], [1], [0], [0], [0, 0, 1, 0], [], []>, transpose_lhs_hint = false} : vector<512x512xbf16>, vector<256x512xbf16>, vector<512x256xf32> -> vector<512x256xf32>
    %eq3A = arith.constant 0 : i32
    %eq3A_58 = arith.cmpi eq, %arg1, %eq3A : i32
    %convert_element_type3A_59 = arith.extui %eq3A_58 : i1 to i32
    %cond3A = arith.constant 0 : i32
    %cond3A_60 = arith.cmpi ne, %convert_element_type3A_59, %cond3A : i32
    scf.if %cond3A_60 {
      %swap3A = arith.constant 0 : index
      %swap3A_70 = arith.constant 0 : index
      %swap3A_71 = vector.load %arg15[%swap3A, %swap3A_70] : memref<512x2xf32, #tpu.memory_space<vmem>>, vector<512x2xf32>
      tpu.vector_store %arg15[%swap3A, %swap3A_70], %dot_general3A_24 {strides = array<i32>} : memref<512x2xf32, #tpu.memory_space<vmem>>, vector<512x2xf32>,
      %swap3A_72 = arith.constant 0 : index
      %swap3A_73 = arith.constant 0 : index
      %swap3A_74 = vector.load %arg16[%swap3A_72, %swap3A_73] : memref<512x256xf32, #tpu.memory_space<vmem>>, vector<512x256xf32>
      tpu.vector_store %arg16[%swap3A_72, %swap3A_73], %dot_general3A_57 {strides = array<i32>} : memref<512x256xf32, #tpu.memory_space<vmem>>, vector<512x256xf32>,
    } else {
    }
    %ne3A = arith.constant 0 : i32
    %ne3A_61 = arith.cmpi ne, %arg1, %ne3A : i32
    %convert_element_type3A_62 = arith.extui %ne3A_61 : i1 to i32
    %cond3A_63 = arith.constant 0 : i32
    %cond3A_64 = arith.cmpi ne, %convert_element_type3A_62, %cond3A_63 : i32
    scf.if %cond3A_64 {
      %get3A_70 = arith.constant 0 : index
      %get3A_71 = arith.constant 0 : index
      %get3A_72 = vector.load %arg15[%get3A_70, %get3A_71] : memref<512x2xf32, #tpu.memory_space<vmem>>, vector<512x2xf32>
      %add3A_73 = arith.addf %get3A_72, %dot_general3A_24 : vector<512x2xf32>
      %swap3A = arith.constant 0 : index
      %swap3A_74 = arith.constant 0 : index
      %swap3A_75 = vector.load %arg15[%swap3A, %swap3A_74] : memref<512x2xf32, #tpu.memory_space<vmem>>, vector<512x2xf32>
      tpu.vector_store %arg15[%swap3A, %swap3A_74], %add3A_73 {strides = array<i32>} : memref<512x2xf32, #tpu.memory_space<vmem>>, vector<512x2xf32>,
      %get3A_76 = arith.constant 0 : index
      %get3A_77 = arith.constant 0 : index
      %get3A_78 = vector.load %arg16[%get3A_76, %get3A_77] : memref<512x256xf32, #tpu.memory_space<vmem>>, vector<512x256xf32>
      %add3A_79 = arith.addf %get3A_78, %dot_general3A_57 : vector<512x256xf32>
      %swap3A_80 = arith.constant 0 : index
      %swap3A_81 = arith.constant 0 : index
      %swap3A_82 = vector.load %arg16[%swap3A_80, %swap3A_81] : memref<512x256xf32, #tpu.memory_space<vmem>>, vector<512x256xf32>
      tpu.vector_store %arg16[%swap3A_80, %swap3A_81], %add3A_79 {strides = array<i32>} : memref<512x256xf32, #tpu.memory_space<vmem>>, vector<512x256xf32>,
    } else {
    }
    %eq3A_65 = arith.constant 3 : i32
    %eq3A_66 = arith.cmpi eq, %arg1, %eq3A_65 : i32
    %convert_element_type3A_67 = arith.extui %eq3A_66 : i1 to i32
    %cond3A_68 = arith.constant 0 : i32
    %cond3A_69 = arith.cmpi ne, %convert_element_type3A_67, %cond3A_68 : i32
    scf.if %cond3A_69 {
      %get3A_70 = arith.constant 0 : index
      %get3A_71 = arith.constant 0 : index
      %get3A_72 = vector.load %arg15[%get3A_70, %get3A_71] : memref<512x2xf32, #tpu.memory_space<vmem>>, vector<512x2xf32>
      %get3A_73 = arith.constant 0 : index
      %get3A_74 = arith.constant 0 : index
      %get3A_75 = vector.load %arg8[%get3A_73, %get3A_74] : memref<1x2xf32, #tpu.memory_space<vmem>>, vector<1x2xf32>
      %add3A_76 = vector.broadcast %get3A_75 : vector<1x2xf32> to vector<512x2xf32>
      %add3A_77 = arith.addf %get3A_72, %add3A_76 : vector<512x2xf32>
      %convert_element_type3A_78 = arith.truncf %add3A_77 : vector<512x2xf32> to vector<512x2xbf16>
      %swap3A = arith.constant 0 : index
      %swap3A_79 = arith.constant 0 : index
      %swap3A_80 = vector.load %arg13[%swap3A, %swap3A_79] : memref<512x2xbf16, #tpu.memory_space<vmem>>, vector<512x2xbf16>
      tpu.vector_store %arg13[%swap3A, %swap3A_79], %convert_element_type3A_78 {strides = array<i32>} : memref<512x2xbf16, #tpu.memory_space<vmem>>, vector<512x2xbf16>,
      %get3A_81 = arith.constant 0 : index
      %get3A_82 = arith.constant 0 : index
      %get3A_83 = vector.load %arg16[%get3A_81, %get3A_82] : memref<512x256xf32, #tpu.memory_space<vmem>>, vector<512x256xf32>
      %get3A_84 = arith.constant 0 : index
      %get3A_85 = arith.constant 0 : index
      %get3A_86 = arith.constant 0 : index
      %get3A_87 = vector.load %arg12[%get3A_84, %get3A_85, %get3A_86] : memref<1x1x256xf32, #tpu.memory_space<vmem>>, vector<1x1x256xf32>
      %get3A_88 = vector.shape_cast %get3A_87 : vector<1x1x256xf32> to vector<1x256xf32>
      %add3A_89 = vector.broadcast %get3A_88 : vector<1x256xf32> to vector<512x256xf32>
      %add3A_90 = arith.addf %get3A_83, %add3A_89 : vector<512x256xf32>
      %convert_element_type3A_91 = arith.truncf %add3A_90 : vector<512x256xf32> to vector<512x256xbf16>
      %swap3A_92 = arith.constant 0 : index
      %swap3A_93 = arith.constant 0 : index
      %swap3A_94 = vector.load %arg14[%swap3A_92, %swap3A_93] : memref<512x256xbf16, #tpu.memory_space<vmem>>, vector<512x256xbf16>
      tpu.vector_store %arg14[%swap3A_92, %swap3A_93], %convert_element_type3A_91 {strides = array<i32>} : memref<512x256xbf16, #tpu.memory_space<vmem>>, vector<512x256xbf16>,
    } else {
    }
    return
  }
  func.func @transform_0(%arg0: i32, %arg1: i32, %arg2: memref<9xi32, #tpu.memory_space<smem>>, %arg3: memref<4608xi32, #tpu.memory_space<smem>>) -> (i32, i32) {
    %c0_i32 = arith.constant 0 : i32
    %c0_i32_0 = arith.constant 0 : i32
    return %arg0, %c0_i32 : i32, i32
  }
  func.func @transform_1(%arg0: i32, %arg1: i32, %arg2: memref<9xi32, #tpu.memory_space<smem>>, %arg3: memref<4608xi32, #tpu.memory_space<smem>>) -> (i32, i32) {
    %c0_i32 = arith.constant 0 : i32
    %c0_i32_0 = arith.constant 0 : i32
    return %arg1, %c0_i32 : i32, i32
  }
  func.func @transform_2(%arg0: i32, %arg1: i32, %arg2: memref<9xi32, #tpu.memory_space<smem>>, %arg3: memref<4608xi32, #tpu.memory_space<smem>>) -> (i32, i32) {
    %c0_i32 = arith.constant 0 : i32
    %c0_i32_0 = arith.constant 0 : i32
    return %c0_i32, %arg1 : i32, i32
  }
  func.func @transform_3(%arg0: i32, %arg1: i32, %arg2: memref<9xi32, #tpu.memory_space<smem>>, %arg3: memref<4608xi32, #tpu.memory_space<smem>>) -> (i32, i32) {
    %c0_i32 = arith.constant 0 : i32
    %c0_i32_0 = arith.constant 0 : i32
    return %c0_i32, %arg1 : i32, i32
  }
  func.func @transform_4(%arg0: i32, %arg1: i32, %arg2: memref<9xi32, #tpu.memory_space<smem>>, %arg3: memref<4608xi32, #tpu.memory_space<smem>>) -> (i32, i32) {
    %c0_i32 = arith.constant 0 : i32
    %c0_i32_0 = arith.constant 0 : i32
    %c0_i32_1 = arith.constant 0 : i32
    return %c0_i32, %c0_i32_0 : i32, i32
  }
  func.func @transform_5(%arg0: i32, %arg1: i32, %arg2: memref<9xi32, #tpu.memory_space<smem>>, %arg3: memref<4608xi32, #tpu.memory_space<smem>>) -> (i32, i32, i32) {
    %get3A = arith.index_cast %arg0 : i32 to index
    %get3A_0 = memref.load %arg2[%get3A] : memref<9xi32, #tpu.memory_space<smem>>
    %c0_i32 = arith.constant 0 : i32
    %c0_i32_1 = arith.constant 0 : i32
    return %get3A_0, %arg1, %c0_i32 : i32, i32, i32
  }
  func.func @transform_6(%arg0: i32, %arg1: i32, %arg2: memref<9xi32, #tpu.memory_space<smem>>, %arg3: memref<4608xi32, #tpu.memory_space<smem>>) -> (i32, i32, i32) {
    %get3A = arith.index_cast %arg0 : i32 to index
    %get3A_0 = memref.load %arg2[%get3A] : memref<9xi32, #tpu.memory_space<smem>>
    %c0_i32 = arith.constant 0 : i32
    %c0_i32_1 = arith.constant 0 : i32
    return %get3A_0, %c0_i32, %arg1 : i32, i32, i32
  }
  func.func @transform_7(%arg0: i32, %arg1: i32, %arg2: memref<9xi32, #tpu.memory_space<smem>>, %arg3: memref<4608xi32, #tpu.memory_space<smem>>) -> (i32, i32, i32) {
    %get3A = arith.index_cast %arg0 : i32 to index
    %get3A_0 = memref.load %arg2[%get3A] : memref<9xi32, #tpu.memory_space<smem>>
    %c0_i32 = arith.constant 0 : i32
    %c0_i32_1 = arith.constant 0 : i32
    return %get3A_0, %c0_i32, %arg1 : i32, i32, i32
  }
  func.func @transform_8(%arg0: i32, %arg1: i32, %arg2: memref<9xi32, #tpu.memory_space<smem>>, %arg3: memref<4608xi32, #tpu.memory_space<smem>>) -> (i32, i32, i32) {
    %get3A = arith.index_cast %arg0 : i32 to index
    %get3A_0 = memref.load %arg2[%get3A] : memref<9xi32, #tpu.memory_space<smem>>
    %c0_i32 = arith.constant 0 : i32
    %c0_i32_1 = arith.constant 0 : i32
    %c0_i32_2 = arith.constant 0 : i32
    return %get3A_0, %c0_i32, %c0_i32_1 : i32, i32, i32
  }
  func.func @transform_9(%arg0: i32, %arg1: i32, %arg2: memref<9xi32, #tpu.memory_space<smem>>, %arg3: memref<4608xi32, #tpu.memory_space<smem>>) -> (i32, i32) {
    %c0_i32 = arith.constant 0 : i32
    %c0_i32_0 = arith.constant 0 : i32
    return %arg0, %c0_i32 : i32, i32
  }
  func.func @transform_10(%arg0: i32, %arg1: i32, %arg2: memref<9xi32, #tpu.memory_space<smem>>, %arg3: memref<4608xi32, #tpu.memory_space<smem>>) -> (i32, i32) {
    %c0_i32 = arith.constant 0 : i32
    %c0_i32_0 = arith.constant 0 : i32
    return %arg0, %c0_i32 : i32, i32
  }
}

</mosaic_0001>

<sc_bundles>
// kernel: gather_offload_async_start
scs
__scs_entry_jumppad:
0x0: {  	(pc) =	sbr.rel $0x88, $3  }
0x1: {  	(tag) =	ssettag $0x0;
	lr =	simm.s32 $0x1  }
0x2: {  	[smem:$0x3F93] =	sst lr;
	_ =	strace $0xD0000000  }
0x3: {  	_ = 	snop  }
0x4: {  	_ = 	snop  }
0x5: {  	_ = 	snop  }
0x6: {  	_ = 	snop  }
0x7: {  	_ = 	snop  }
__scs_overlays_trampoline_lowered:
0x8: {  	[smem:$0x3FA2] =	sst s0  }
0x9: {  	[smem:$0x3FA3] =	sst s1  }
0xa: {  	[smem:$0x3FA4] =	sst s2  }
0xb: {  	[smem:$0x3FA5] =	sst s3  }
0xc: {  	[smem:$0x3FA6] =	sst s4  }
0xd: {  	[smem:$0x3FA7] =	sst s5  }
0xe: {  	[smem:$0x3FA8] =	sst s6  }
0xf: {  	[smem:$0x3FA9] =	sst s7  }
0x10: {  	[smem:$0x3FAA] =	sst s8  }
0x11: {  	[smem:$0x3FAB] =	sst s9;
	s0 =	simm.s32 @!p0 $0x0  }
0x12: {  	s1 =	sld [smem:$0x3F91];
	s0 =	simm.s32 @p0 $0x1  }
0x13: {  	[smem:$0x3FAC] =	sst s0;
	s0 =	simm.s32 @!p1 $0x0  }
0x14: {  	s2 =	sld [smem:$0x3F90];
	s0 =	simm.s32 @p1 $0x1  }
0x15: {  	[smem:$0x3FAD] =	sst s0;
	s0 =	simm.s32 @!p2 $0x0  }
0x16: {  	s3 =	sld [smem:$0x3FDB];
	s0 =	simm.s32 @p2 $0x1  }
0x17: {  	s4 =	simm.s32 $0x1BF5;
	[smem:$0x3FAF] =	sst s0  }
0x18: {  	s0 =	sld [smem:$0x3F92];
	_ =	swait.ge [sflag:s4], $0x0  }
0x19: {  	s7 =	sld [smem:$0x3F93]  }
0x1a: {  	s8 =	sadd.s32 $0xFFFFE003, lr  }
0x1b: {  	s9 =	sadd.s32 $0xFFFFFEF7, lr;
	s5 =	simm.s32 $0xFFFFFFFF;
	p2 =	slt.u32 s8, $0xFFFFF086  }
0x1c: {  	p1 =	slt.u32 s9, $0xF7A;
	s5 =	simm.s32 @!p2 $0x0  }
0x1d: {  	s5 =	simm.s32 @p1 $0x1;
	p0 =	seq.s32 s7, s2  }
0x1e: {  	s7 =	smul.u32 @!p0 $0xF7A, s2;
	p2 =	seq.s32 @!p0 s5, $0x0  }
0x1f: {  	s9 =	smul.u32 $0xF7A, s1;
	s8 =	simm.s32 @!p0 $0x1BF5;
	p2 =	por !p2, p0  }
0x20: {  	[sflag:s8] =	ssyncset.s32 @!p0 $0xFFFFF086;
	s6 =	sadd.s32 @!p0 s3, s7;
	s7 =	simm.s32 @!p0 $0x108  }
0x21: {  	s3 =	sadd.s32 s3, s9;
	s6 =	sadd.s32 @!p0 $0x88, s6;
	s7 =	simm.s32 @p2 $0x1082  }
0x22: {  	[simem:s7], [sflag:s8] =	dma.local @!p0 [hbm:s6], $0xF7A  }
0x23: {  	s9 =	sor.u32 $0xD0000000, s2;
	s6 =	simm.s32 $0x108;
	_ =	swait.ge @!p0 [sflag:s8], $0x0  }
0x24: {  	s3 =	sadd.s32 $0x88, s3;
	s6 =	simm.s32 @!p1 $0x1082;
	[sflag:s4] =	ssyncset.s32 $0xFFFFF086  }
0x25: {  	[simem:s6], [sflag:s4] =	dma.local [hbm:s3], $0xF7A  }
0x26: {  	[smem:$0x3F93] =	sst s1;
	(tag) =	ssettag s2;
	_ =	strace s9  }
0x27: {  	s1 =	sld [smem:$0x3FA3]  }
0x28: {  	s2 =	sld [smem:$0x3FA4]  }
0x29: {  	s4 =	sld [smem:$0x3FA6]  }
0x2a: {  	p0 =	seq.s32 s5, $0x0;
	s5 =	sld [smem:$0x3FA7]  }
0x2b: {  	s6 =	sld [smem:$0x3FA8]  }
0x2c: {  	s7 =	sld [smem:$0x3FA9]  }
0x2d: {  	s3 =	simm.s32 $0x108;
	s8 =	sld [smem:$0x3FAA]  }
0x2e: {  	s3 =	simm.s32 @!p0 $0x1082;
	s9 =	sld [smem:$0x3FAB]  }
0x2f: {  	lr =	sadd.s32 s0, s3;
	s0 =	sld [smem:$0x3FA2]  }
0x30: {  	s3 =	sld [smem:$0x3FA5]  }
0x31: {  	[smem:$0x3FAE] =	sst s10  }
0x32: {  	s10 =	sld [smem:$0x3FAC];
	_ =	sdelay $0x3  }
0x33: {  	p0 =	seq.s32 s10, $0x1;
	s10 =	sld [smem:$0x3FAE];
	_ =	sdelay $0x3  }
0x34: {  	[smem:$0x3FAE] =	sst s10  }
0x35: {  	s10 =	sld [smem:$0x3FAD];
	_ =	sdelay $0x3  }
0x36: {  	p1 =	seq.s32 s10, $0x1;
	s10 =	sld [smem:$0x3FAE];
	_ =	sdelay $0x3  }
0x37: {  	[smem:$0x3FAE] =	sst s10  }
0x38: {  	s10 =	sld [smem:$0x3FAF]  }
0x39: {  	_ = 	snop;
	(pc) =	sbr.ind lr, $3  }
0x3a: {  	_ = 	snop  }
0x3b: {  	_ = 	snop  }
0x3c: {  	p2 =	seq.s32 s10, $0x1;
	s10 =	sld [smem:$0x3FAE]  }
0x3d: {  	_ =	shalt  }
0x3e: {  	_ =	shalt  }
0x3f: {  	_ =	shalt  }
0x40: {  	_ =	shalt  }
0x41: {  	_ =	shalt  }
0x42: {  	_ =	shalt  }
0x43: {  	_ =	shalt  }
0x44: {  	_ =	shalt  }
0x45: {  	_ =	shalt  }
0x46: {  	_ =	shalt  }
0x47: {  	_ =	shalt  }
0x48: {  	_ =	shalt  }
0x49: {  	_ =	shalt  }
0x4a: {  	_ =	shalt  }
0x4b: {  	_ =	shalt  }
0x4c: {  	_ =	shalt  }
0x4d: {  	_ =	shalt  }
0x4e: {  	_ =	shalt  }
0x4f: {  	_ =	shalt  }
0x50: {  	_ =	shalt  }
0x51: {  	_ =	shalt  }
0x52: {  	_ =	shalt  }
0x53: {  	_ =	shalt  }
0x54: {  	_ =	shalt  }
0x55: {  	_ =	shalt  }
0x56: {  	_ =	shalt  }
0x57: {  	_ =	shalt  }
0x58: {  	_ =	shalt  }
0x59: {  	_ =	shalt  }
0x5a: {  	_ =	shalt  }
0x5b: {  	_ =	shalt  }
0x5c: {  	_ =	shalt  }
0x5d: {  	_ =	shalt  }
0x5e: {  	_ =	shalt  }
0x5f: {  	_ =	shalt  }
0x60: {  	_ =	shalt  }
0x61: {  	_ =	shalt  }
0x62: {  	_ =	shalt  }
0x63: {  	_ =	shalt  }
0x64: {  	_ =	shalt  }
0x65: {  	_ =	shalt  }
0x66: {  	_ =	shalt  }
0x67: {  	_ =	shalt  }
0x68: {  	_ =	shalt  }
0x69: {  	_ =	shalt  }
0x6a: {  	_ =	shalt  }
0x6b: {  	_ =	shalt  }
0x6c: {  	_ =	shalt  }
0x6d: {  	_ =	shalt  }
0x6e: {  	_ =	shalt  }
0x6f: {  	_ =	shalt  }
0x70: {  	_ =	shalt  }
0x71: {  	_ =	shalt  }
0x72: {  	_ =	shalt  }
0x73: {  	_ =	shalt  }
0x74: {  	_ =	shalt  }
0x75: {  	_ =	shalt  }
0x76: {  	_ =	shalt  }
0x77: {  	_ =	shalt  }
0x78: {  	_ =	shalt  }
0x79: {  	_ =	shalt  }
0x7a: {  	_ =	shalt  }
0x7b: {  	_ =	shalt  }
0x7c: {  	_ =	shalt  }
0x7d: {  	_ =	shalt  }
0x7e: {  	_ =	shalt  }
0x7f: {  	_ =	shalt  }
0x80: {  	_ =	shalt  }
0x81: {  	_ =	shalt  }
0x82: {  	_ =	shalt  }
0x83: {  	_ =	shalt  }
0x84: {  	_ =	shalt  }
0x85: {  	_ =	shalt  }
0x86: {  	_ =	shalt  }
0x87: {  	_ =	shalt  }
.Lfunc_end0:
.L_simem_size_0:
called_computation_lowered:
.L_overlay_start_0:
0x88: {  	s2 =	sld [smem:$0x3FD9]  }
0x89: {  	s3 =	sld [smem:$0x3FFE];
	_ =	sdelay $0x1  }
0x8a: {  	s1 =	srdreg.scid  }
0x8b: {  	s0 =	sand.u32 $0x1, s1  }
0x8c: {  	s14 =	sshll.u32 s0, $0xA;
	s2 =	sadd.s32 s3, s2  }
0x8d: {  	s2 =	sadd.s32 s2, s14  }
0x8e: {  	[smem:$0x3FBA] =	sst s2  }
0x8f: {  	_ = 	snop  }
0x90: {  	s2 =	sld [smem:$0x3FD0];
	_ =	sdelay $0x2  }
0x91: {  	s4 =	simm.s32 $0xA;
	s5 =	simm.s32 $0x10;
	s15 =	sld [smem:$0x3FC9]  }
0x92: {  	[smem:s5], [sflag:s4] =	dma.local [hbm:s2], $0x1  }
0x93: {  	_ =	swait.eq [sflag:s4], $0x1  }
0x94: {  	[sflag:s4] =	ssyncset.done $0x0  }
0x95: {  	[sflag:s4] =	ssyncadd.s32 $0xFFFFFFFF  }
0x96: {  	s16 =	sld [smem:$0x11];
	(tm) =	ssettm $0x1  }
0x97: {  	s17 =	sld [smem:$0x3FFB];
	_ =	sdelay $0x3  }
0x98: {  	_ =	strace s17  }
0x99: {  	s4 =	sld [smem:$0x3FFC];
	_ =	sdelay $0x3  }
0x9a: {  	_ =	strace s4  }
0x9b: {  	s4 =	sld [smem:$0x3FFD];
	_ =	sdelay $0x3  }
0x9c: {  	_ =	strace s4  }
0x9d: {  	_ =	strace $0x8FFFFFFF  }
0x9e: {  	s18 =	sld [smem:$0x3FDB];
	_ =	sdelay $0x1  }
0x9f: {  	s19 =	simm.s32 $_scs_section_size  }
0xa0: {  	s6 =	simm.s32 $_size__tile_overlayer_lowered;
	s7 =	simm.s32 $_tile_overlayer_lowered  }
0xa1: {  	s22 =	simm.s32 $0x1BFF;
	s21 =	sshll.u32 s7, $0x1;
	s4 =	sadd.s32 s19, s18  }
0xa2: {  	s8 =	simm.s32 $0x0;
	s20 =	sshll.u32 s6, $0x1;
	s6 =	sadd.s32 s21, s4  }
0xa3: {  	[timem:s8], [sflag:s22] =	dma.local [hbm:s6], s20  }
0xa4: {  	_ =	swait.ge [sflag:s22], s20  }
0xa5: {  	s5 =	ssub.s32 $0x0, s20;
	[sflag:s22] =	ssyncset.done $0x0  }
0xa6: {  	[sflag:s22] =	ssyncadd.s32 s5;
	_ =	sdelay $0x1  }
0xa7: {  	s23 =	simm.s32 $0x1B8B  }
0xa8: {  	_ =	swait.ge [sflag:s23], $0x1  }
0xa9: {  	[sflag:s23] =	ssyncset.done $0x0  }
0xaa: {  	s25 =	simm.s32 $0x1B8E;
	s24 =	sld [smem:$0x3FFE];
	[sflag:s23] =	ssyncadd.s32 $0xFFFFFFFF  }
0xab: {  	s26 =	simm.s32 $execute0_lowered;
	[smem:$0x3FD2] =	sst s25  }
0xac: {  	s6 =	sshll.u32 s26, $0x1;
	_ =	strace $0x80000046;
	[dreg:$0x1] =	wrdreg $0xFFFFFFFF  }
0xad: {  	s28 =	simm.s32 $_size_execute0_lowered;
	s4 =	sadd.s32 s4, s6;
	[dreg:$0x0] =	wrdreg $0x0  }
0xae: {  	s6 =	sshll.u32 s28, $0x1;
	[dreg:$0x2] =	wrdreg s4  }
0xaf: {  	[dreg:$0x3] =	wrdreg s6  }
0xb0: {  	[dreg:$0x4] =	wrdreg $0xC0  }
0xb1: {  	_ =	task [dreg:s8], $0x5FFFF  }
0xb2: {  	[dreg:$0x1] =	wrdreg $0xFFFFFFFF  }
0xb3: {  	[dreg:$0x0] =	wrdreg $0x60  }
0xb4: {  	[dreg:$0x2] =	wrdreg s15  }
0xb5: {  	[dreg:$0x3] =	wrdreg s16  }
0xb6: {  	[dreg:$0x4] =	wrdreg s24  }
0xb7: {  	[dreg:$0x5] =	wrdreg $0x9  }
0xb8: {  	_ =	task.clear_ibuf [dreg:s8], $0x6FFFF;
	_ =	strace $0x90000046  }
0xb9: {  	s29 =	simm.s32 $0x9;
	_ =	strace $0x80000048  }
0xba: {  	_ =	swait.ge [sflag:s29], $0x1  }
0xbb: {  	[sflag:s29] =	ssyncadd.s32 $0xFFFFFFFF  }
0xbc: {  	_ =	strace $0x90000048  }
0xbd: {  	_ =	sfence  }
0xbe: {  	s30 =	sld [smem:$0x0];
	_ =	sdelay $0x2  }
0xbf: {  	s31 =	sshll.u32 s1, $0xD;
	s1 =	sshrl.u32 s1, $0x2  }
0xc0: {  	s3 =	sand.u32 $0x4000, s31;
	s1 =	sadd.s32 s1, s30  }
0xc1: {  	s0 =	sor.u32 s3, s0;
	s1 =	sshll.u32 s1, $0x11  }
0xc2: {  	s0 =	sor.u32 s1, s0  }
0xc3: {  	s0 =	sadd.s32 $0x8F2B, s0  }
0xc4: {  	[sflag:s0] =	ssyncadd.remote.s32 $0x1  }
0xc5: {  	_ =	sfence.sel $0xFFFF  }
0xc6: {  	[dreg:$0x0] =	wrdreg $0xFFFFFFFF;
	(pc) =	sbr.abs _section_cstart, $3  }
0xc7: {  	[dreg:$0x1] =	wrdreg $0xFFFFFFFF  }
0xc8: {  	_ =	task.clear_ibuf [dreg:s8], $0x2FFFF;
	_ =	strace $0x9FFFFFFF  }
0xc9: {  	(tm) =	ssettm $0x7FFFFFFF  }
tec
execute0_lowered:
.L_overlay_start_1:
0x0: {  	(tag) =	ssettag $0x1  }
0x1: {  	s2 =	rddreg [dreg:$0x0]  }
0x2: {  	s0 =	srdreg.scid;
	s3 =	rddreg [dreg:$0x1]  }
0x3: {  	s6 =	rddreg [dreg:$0x2];
	s1 =	stileid.u32  }
0x4: {  	s7 =	simm.s32 $0x2;
	s9 =	simm.s32 $0x3;
	s0 =	sshll.u32 s0, $0x4  }
0x5: {  	s13 =	simm.s32 $0x0;
	p0 =	por $0x0, $0x0;
	s4 =	sand.u32 $0x10, s0  }
.Ltmp0:
0x6: {  	s0 =	rddreg [dreg:$0x3];
	s5 =	sor.u32 s1, s4;
	(pc) =	sbr.rel .LBB2_1-.Ltmp0, $4  }
0x7: {  	_ =	strace $0x80000047;
	s4 =	simm.s32 $0x1;
	s5 =	smul.u32 $0x90, s5  }
0x8: {  	s12 =	simm.s32 $0x0;
	s10 =	simm.s32 $0x0;
	[sflag:s4] =	ssyncpa.u1 $0x0  }
0x9: {  	s6 =	sadd.s32 $0x1400, s6;
	[sflag:s7] =	ssyncpa.u1 $0x0;
	s8 =	sadd.s32 $0x90, s5  }
0xa: {  	vm0 =	vmmov $0xff;
	vm1 =	vcmask $0x3F20;
	[sflag:s9] =	ssyncpa.u1 $0x0;
	s11 =	smov.u32 s5;
	s9 =	simm.s32 $0x0  }
.LBB2_8:
0xb: {  	[hbm:s16] =	stream.linear.scatter [tilespmem:s13], [sflag:$0x3], $0x4000, $0x38;
	[tilespmem:$0x18030] =	vst v63  }
.LBB2_9:
0xc: {  	s14 =	sadd.s32 $0x800, s10;
	s12 =	sadd.s32 $0x18, s11;
	s13 =	smov.u32 s11  }
0xd: {  	p2 =	slt.u32 s9, $0x2;
	s9 =	sadd.s32 $0x1, s9;
	p1 =	sgt.s32 s14, $0xFFF  }
0xe: {  	s13 =	smov.u32 @p1 s12;
	s14 =	simm.s32 @p1 $0x0;
	p1 =	sne.s32 s9, $0xE  }
.Ltmp1:
0xf: {  	_ = 	snop;
	(pc) =	sbr.rel @!p1 .LBB2_10-.Ltmp1, $4  }
0x10: {  	s16 =	smov.u32 s5;
	p0 =	por !p0, !p0;
	s15 =	simm.s32 @!p2 $0x3  }
0x11: {  	_ =	swait.ge @!p2 [sflag:s15], $0xC000;
	s12 =	smov.u32 s11;
	p3 =	slt.s32 s13, s8  }
0x12: {  	[sflag:s15] =	ssyncset.done @!p2 $0x0;
	s16 =	smov.u32 @p3 s13;
	s13 =	smov.u32 s10  }
0x13: {  	[sflag:s15] =	ssyncadd.s32 @!p2 $0xFFFF4000;
	s10 =	smov.u32 s14;
	s11 =	smov.u32 s16  }
.LBB2_1:
0x14: {  	p1 =	sgt.u32 s9, $0xB  }
0x15: {  	s14 =	sxor.u32 @!p1 $0xFFFFFFFF, s9  }
0x16: {  	s14 =	sand.u32 @!p1 $0x1, s14  }
0x17: {  	s14 =	smul.u32 @!p1 $0x60, s14  }
0x18: {  	s31 =	sadd.s32 $0xFFFFFFFF, s9;
	s15 =	sshrl.u32 @!p1 s11, $0x3  }
0x19: {  	s16 =	sand.u32 @!p1 $0x7, s11;
	s15 =	sadd.s32 @!p1 s3, s15;
	s14 =	sshrl.u32 @!p1 s14, $0x2  }
0x1a: {  	[tilespmem:s14], [sflag:$0x2] =	stream.linear.gather @!p1 [hbm4b:s15+s16], $0x18, $0x38;
	[tilespmem:$0x18030] =	vst v63  }
0x1b: {  	p1 =	sgt.u32 s31, $0xB  }
.Ltmp2:
0x1c: {  	_ = 	snop;
	(pc) =	sbr.rel @p1 .LBB2_9-.Ltmp2, $1  }
0x1d: {  	_ =	sdelay $0x3  }
0x1e: {  	s14 =	sand.u32 $0x1, s9  }
0x1f: {  	_ =	swait.ge [sflag:s7], $0x18;
	s14 =	smul.u32 $0x60, s14  }
0x20: {  	[sflag:s7] =	ssyncset.done $0x0  }
0x21: {  	[sflag:s7] =	ssyncadd.s32 $0xFFFFFFE8;
	s16 =	sshrl.u32 s14, $0x2  }
0x22: {  	v0 =	vld.msk [tilespmem:s16+$0x0 ss:$0x1], $0xffff;
	_ =	sdelay $0x4  }
0x23: {  	vm2 =	vgt.s32 v0, $0x0  }
0x24: {  	v0 =	vnsel vm2, $0x0, v0  }
0x25: {  	v0 =	vmin.u32 v0, $0xFFF  }
0x26: {  	v1 =	vshll.u32 v0, $0x4  }
0x27: {  	s15 =	simm.s32 $0x1;
	s14 =	sand.u32 $0xFFFFFF80, s13;
	v0 =	vshll.u32 v0, $0x9;
	v1 =	vand.u32 $0x70, v1  }
0x28: {  	s15 =	simm.s32 @!p0 $0x0;
	v0 =	vand.u32 $0x1FF000, v0;
	v1 =	vor.u32 s14, v1  }
0x29: {  	s31 =	smul.u32 $0x30000, s15;
	v1 =	vadd.s32 v0, v1;
	_ =	sdelay $0x1  }
0x2a: {  	s15 =	sshrl.u32 s31, $0x2  }
0x2b: {  	s13 =	sor.u32 $0x30, s15  }
0x2c: {  	s18 =	sadd.s32 $0x0, s13  }
0x2d: {  	[tilespmem:s18], [sflag:$0x1] =	stream.indirect_vreg.gather [hbm:s2], $0x80, v1, vm0, $0x38;
	[tilespmem:$0x18030] =	vst v63  }
0x2e: {  	s17 =	simm.s32 $0x1000;
	s15 =	sadd.s32 $0x8030, s15;
	v0 =	vmov s14;
	v2 =	vadd.s32 $0x80, v1;
	s18 =	sadd.s32 $0x4000, s18  }
.LBB2_3:
0x2f: {  	[tilespmem:s18], [sflag:$0x1] =	stream.indirect_vreg.gather [hbm:s2], $0x80, v1, vm1, $0x38;
	[tilespmem:$0x18030] =	vst v63  }
0x30: {  	v1 =	vmov v2;
	s18 =	smov.u32 s17;
	p1 =	sne.s32 s17, $0xF000  }
.Ltmp3:
0x31: {  	s17 =	sadd.s32 $0x1000, s17;
	(pc) =	sbr.rel @p1 .LBB2_3-.Ltmp3, $4  }
0x32: {  	s18 =	sshra.s32 s18, $0x2  }
0x33: {  	s18 =	sadd.s32 s18, s13  }
0x34: {  	[tilespmem:s18], [sflag:$0x1] =	stream.indirect_vreg.gather [hbm:s2], $0x80, v2, vm0, $0x38;
	[tilespmem:$0x18030] =	vst v63  }
0x35: {  	s18 =	sadd.s32 $0x4000, s18;
	v2 =	vadd.s32 $0x80, v2  }
0x36: {  	_ =	sdelay $0x3  }
0x37: {  	[tilespmem:s18], [sflag:$0x1] =	stream.indirect_vreg.gather [hbm:s2], $0x80, v1, vm1, $0x38;
	[tilespmem:$0x18030] =	vst v63  }
0x38: {  	v1 =	vld.msk [tilespmem:s16+$0x10 ss:$0x1], $0xff;
	_ =	sdelay $0x4  }
0x39: {  	vm2 =	vgt.s32 v1, $0x0  }
0x3a: {  	v1 =	vnsel vm2, $0x0, v1  }
0x3b: {  	v1 =	vmin.u32 v1, $0xFFF  }
0x3c: {  	v2 =	vshll.u32 v1, $0x4  }
0x3d: {  	v1 =	vshll.u32 v1, $0x9;
	v2 =	vand.u32 $0x70, v2  }
0x3e: {  	v1 =	vand.u32 $0x1FF000, v1;
	v0 =	vor.u32 v0, v2  }
0x3f: {  	v0 =	vadd.s32 v1, v0;
	_ =	sdelay $0x3  }
0x40: {  	s17 =	sadd.s32 $0x0, s15;
	s16 =	simm.s32 $0x1000  }
.LBB2_5:
0x41: {  	[tilespmem:s17], [sflag:$0x1] =	stream.indirect_vreg.gather [hbm:s2], $0x80, v0, vm0, $0x38;
	[tilespmem:$0x18030] =	vst v63  }
0x42: {  	v0 =	vadd.s32 $0x80, v0;
	s17 =	smov.u32 s16;
	p1 =	sne.s32 s16, $0xF000  }
.Ltmp4:
0x43: {  	s16 =	sadd.s32 $0x1000, s16;
	(pc) =	sbr.rel @p1 .LBB2_5-.Ltmp4, $3  }
0x44: {  	_ =	sdelay $0x1  }
0x45: {  	s17 =	sshra.s32 s17, $0x2  }
0x46: {  	s17 =	sadd.s32 s17, s15  }
0x47: {  	_ =	sdelay $0x3  }
0x48: {  	[tilespmem:s17], [sflag:$0x1] =	stream.indirect_vreg.gather [hbm:s2], $0x80, v0, vm0, $0x38;
	[tilespmem:$0x18030] =	vst v63  }
0x49: {  	s15 =	sshll.u32 s12, $0x9  }
0x4a: {  	s15 =	sand.u32 $0xFFFFF000, s15  }
0x4b: {  	s31 =	sshll.u32 s12, $0x4;
	_ =	swait.ge [sflag:s4], $0xC000;
	s15 =	sadd.s32 s15, s6  }
0x4c: {  	s12 =	sand.u32 $0x70, s31;
	[sflag:s4] =	ssyncset.done $0x0;
	s14 =	sadd.s32 s14, s15  }
0x4d: {  	[sflag:s4] =	ssyncadd.s32 $0xFFFF4000;
	s12 =	sadd.s32 s12, s14  }
0x4e: {  	s15 =	sadd.s32 $0x4000, s13;
	s14 =	simm.s32 $0x1000;
	s16 =	sadd.s32 $0x0, s12  }
.LBB2_7:
0x4f: {  	[hbm:s16] =	stream.linear.scatter [tilespmem:s13], [sflag:$0x3], $0x4000, $0x38;
	[tilespmem:$0x18030] =	vst v63  }
0x50: {  	s16 =	smov.u32 s14;
	s13 =	smov.u32 s15;
	p1 =	sne.s32 s14, $0x2000  }
.Ltmp5:
0x51: {  	s14 =	sadd.s32 $0x1000, s14;
	(pc) =	sbr.rel @p1 .LBB2_7-.Ltmp5, $2  }
0x52: {  	_ =	sdelay $0x2  }
0x53: {  	s15 =	sadd.s32 $0x4000, s15;
	s16 =	sadd.s32 s16, s12  }
.Ltmp6:
0x54: {  	_ = 	snop;
	(pc) =	sbr.rel .LBB2_8-.Ltmp6, $1  }
0x55: {  	_ =	sdelay $0x3  }
.LBB2_10:
0x56: {  	_ =	sfence.sel $0x180000  }
0x57: {  	s2 =	simm.s32 $0x2;
	[bflag:$0x0] =	sbarrier.arrive $0xFFFF  }
0x58: {  	s30 =	simm.s32 $0x3;
	[sflag:s2] =	ssyncpa.u1 $0x1  }
0x59: {  	s31 =	simm.s32 $0x1;
	[sflag:s30] =	ssyncpa.u1 $0x1  }
0x5a: {  	[sflag:s31] =	ssyncpa.u1 $0x1  }
0x5b: {  	p0 =	sne.s32 s1, $0x0;
	_ =	strace $0x90000047  }
0x5c: {  	s0 =	sadd.s32 @!p0 $0x100000, s0;
	[bflag:$0x2] =	sbarrier.arrive $0xFFFF  }
0x5d: {  	[sflag:s0] =	ssyncadd.tile.s32 @!p0 $0x1;
	_ =	shalt  }
.Lfunc_end2:
_tile_overlayer_lowered:
.L_overlay_start_2:
0x5e: {  	(tag) =	ssettag $0x2  }
0x5f: {  	s0 =	rddreg [dreg:$0x0];
	s2 =	stileid.u32  }
0x60: {  	s1 =	rddreg [dreg:$0x1];
	p0 =	sne.s32 s2, $0x0  }
0x61: {  	s3 =	rddreg [dreg:$0x2];
	[bflag:$0x3] =	sbarrier.arrive $0xFFFF;
	s2 =	simm.s32 @!p0 $0x1C01  }
0x62: {  	[timem:s3], [sflag:s2] =	dma.local @!p0 [hbm:s0], s1  }
0x63: {  	s0 =	simm.s32 @!p0 $0x1  }
0x64: {  	_ =	swait.ge @!p0 [sflag:s0], s1  }
0x65: {  	s1 =	ssub.s32 @!p0 $0x0, s1;
	[sflag:s0] =	ssyncset.done @!p0 $0x0  }
0x66: {  	[sflag:s0] =	ssyncadd.s32 @!p0 s1  }
0x67: {  	[bflag:$0x3] =	sbarrier.arrive $0xFFFF  }
0x68: {  	_ =	shalt  }

</sc_bundles>
